<compile_context>
chip_gen: v7x
topology: tpu7x:2x2x1
jax: 0.10.2.dev20260603
libtpu: 0.0.44.dev20260713+nightly
codegen_flags: <defaults>
</compile_context>

<pallas_src>
import functools

import jax
import jax.numpy as jnp
import numpy as np
from jax.experimental import pallas as pl
from jax.experimental.pallas import tpu as pltpu


def _pack_matrix() -> np.ndarray:
    g = np.zeros((128, 128), np.float32)
    for j in range(4):
        for e in range(16):
            src = 8 * e + 2 * j
            dst = 32 * j + 2 * e
            g[src, dst] = -1.0
            g[src, dst + 1] = 1.0
    return g


def _cut_kernel(x_ref, lo_ref, hi_ref, inv_ref, g_ref, out_ref):
    xv = x_ref[...]
    lo = lo_ref[...]
    hi = hi_ref[...]
    invb = inv_ref[...] != 0.0
    cb = jnp.logical_and(xv >= lo, xv <= hi)
    c = jnp.where(cb != invb, 1.0, 0.0).astype(jnp.float32)
    d = c * pltpu.roll(c, 127, 2)
    d = d * pltpu.roll(d, 126, 2)
    d = d * pltpu.roll(d, 124, 2)
    lane = jax.lax.broadcasted_iota(jnp.int32, d.shape, 2)
    d = jnp.where(lane % 8 == 0, d, 0.0)
    p = (d[:, 0, :]
         + pltpu.roll(d[:, 1, :], 2, 1)
         + pltpu.roll(d[:, 2, :], 4, 1)
         + pltpu.roll(d[:, 3, :], 6, 1))
    q = jnp.dot(p, g_ref[...], preferred_element_type=jnp.float32)
    evens = jax.lax.broadcasted_iota(jnp.int32, q.shape, 1) % 2 == 0
    out_ref[...] = q + jnp.where(evens, 1.0, 0.0)


@jax.jit
def kernel(x, cut_left, cut_right, case):
    n, f = x.shape
    assert f == 8 and n % 64 == 0
    rows = n // 64
    blk = 512 if rows % 512 == 0 else rows

    inf = jnp.float32(jnp.inf)
    lo = jnp.where(case == 0, -inf,
         jnp.where(case == 3, jnp.nextafter(cut_left, inf), cut_left))
    hi = jnp.where(case == 0, cut_left,
         jnp.where(case == 1, inf,
         jnp.where(case == 2, cut_right, jnp.nextafter(cut_right, -inf))))
    inv = (case == 3).astype(jnp.float32)

    lane_feat = jnp.asarray(np.tile(np.arange(8), 16), dtype=jnp.int32)
    lo_t = lo[lane_feat].reshape(1, 1, 128)
    hi_t = hi[lane_feat].reshape(1, 1, 128)
    inv_t = inv[lane_feat].reshape(1, 1, 128)
    g = jnp.asarray(_pack_matrix())

    x3 = x.reshape(rows, 4, 128)
    res = pl.pallas_call(
        _cut_kernel,
        grid=(rows // blk,),
        in_specs=[
            pl.BlockSpec((blk, 4, 128), lambda i: (i, 0, 0)),
            pl.BlockSpec((1, 1, 128), lambda i: (0, 0, 0)),
            pl.BlockSpec((1, 1, 128), lambda i: (0, 0, 0)),
            pl.BlockSpec((1, 1, 128), lambda i: (0, 0, 0)),
            pl.BlockSpec((128, 128), lambda i: (0, 0)),
        ],
        out_specs=pl.BlockSpec((blk, 128), lambda i: (i, 0)),
        out_shape=jax.ShapeDtypeStruct((rows, 128), jnp.float32),
    )(x3, lo_t, hi_t, inv_t, g)
    return res.reshape(n, 2)

# --- scband reference (transcript-rebuilt; emitter-appended) ---
"""Pipeline reference for scband-cut-and-count-17145509445926 (READ-ONLY COPY).

The authoritative reference and input builder live on the scoring server;
editing this copy changes nothing except your own understanding.
"""

import jax, jax.numpy as jnp
import numpy as np

N = 4194304
F = 8

def setup_inputs(seed: int = 0) -> dict:
    key = jax.random.key(seed)
    k1, k2, k3, k4 = jax.random.split(key, 4)
    x = jax.random.normal(k1, (N, F), dtype=jnp.float32)
    # Learned CutLayer state (one scalar cut_left/cut_right/case per observable),
    # as assigned by find_best_cut during training. case in {0,1,2,3}:
    # 0: keep x <= cut_left ; 1: keep x >= cut_left ;
    # 2: keep cut_left <= x <= cut_right ; 3: keep x <= cut_left or x >= cut_right
    cut_left = jax.random.uniform(k2, (F,), minval=-0.5, maxval=0.0, dtype=jnp.float32)
    cut_right = jax.random.uniform(k3, (F,), minval=0.0, maxval=0.5, dtype=jnp.float32)
    case = jax.random.randint(k4, (F,), 0, 4)
    return {"x": x, "cut_left": cut_left, "cut_right": cut_right, "case": case}

def reference(x, cut_left, cut_right, case):
    # parallel_call with y=None: each CutLayer looks at x[:, feature_id]
    # (ops.take(x, i, axis=-1)) and emits a 0/1 prediction per its stored case;
    # predictions are combined with keras.layers.Multiply() (logical AND of cuts).
    cl = cut_left[None, :]
    cr = cut_right[None, :]
    cs = case[None, :]
    p0 = x <= cl
    p1 = x >= cl
    p2 = jnp.logical_and(x >= cl, x <= cr)
    p3 = jnp.logical_or(x <= cl, x >= cr)
    pred = jnp.where(cs == 0, p0,
           jnp.where(cs == 1, p1,
           jnp.where(cs == 2, p2, p3))).astype(jnp.float32)
    y_pred = jnp.prod(pred, axis=-1)  # Multiply over the F cut layers -> [N]
    y_pred = jnp.squeeze(y_pred)      # ops.squeeze in call()
    # ops.one_hot(ops.cast(y_pred, 'int32'), num_classes=2)
    return jax.nn.one_hot(y_pred.astype(jnp.int32), 2, dtype=jnp.float32)

if __name__ == "__main__":
    import jax
    _d = setup_inputs()
    print(jax.jit(kernel)(*tuple(_d.values())))

</pallas_src>

<mosaic_0001>
module attributes {stable_mosaic.version = 14 : i64} {
  func.func @_cut_kernel(%arg0: i32, %arg1: memref<512x4x128xf32, #tpu.memory_space<vmem>>, %arg2: memref<1x1x128xf32, #tpu.memory_space<vmem>>, %arg3: memref<1x1x128xf32, #tpu.memory_space<vmem>>, %arg4: memref<1x1x128xf32, #tpu.memory_space<vmem>>, %arg5: memref<128x128xf32, #tpu.memory_space<vmem>>, %arg6: memref<512x128xf32, #tpu.memory_space<vmem>>) attributes {dimension_semantics = [#tpu.dimension_semantics<arbitrary>], iteration_bounds = array<i64: 128>, scalar_prefetch = 0 : i64, scratch_operands = 0 : i64, tpu.core_type = #tpu.core_type<tc>, window_params = [{transform_indices = @transform_0, window_bounds = array<i64: 512, 4, 128>}, {pipeline_mode = #tpu.pipeline_mode<synchronous>, transform_indices = @transform_1, window_bounds = array<i64: 1, 1, 128>}, {pipeline_mode = #tpu.pipeline_mode<synchronous>, transform_indices = @transform_2, window_bounds = array<i64: 1, 1, 128>}, {pipeline_mode = #tpu.pipeline_mode<synchronous>, transform_indices = @transform_3, window_bounds = array<i64: 1, 1, 128>}, {pipeline_mode = #tpu.pipeline_mode<synchronous>, transform_indices = @transform_4, window_bounds = array<i64: 128, 128>}, {transform_indices = @transform_5, window_bounds = array<i64: 512, 128>}]} {
    %get3A = arith.constant 0 : index
    %get3A_0 = arith.constant 0 : index
    %get3A_1 = arith.constant 0 : index
    %get3A_2 = vector.load %arg1[%get3A, %get3A_0, %get3A_1] : memref<512x4x128xf32, #tpu.memory_space<vmem>>, vector<512x4x128xf32>
    %get3A_3 = arith.constant 0 : index
    %get3A_4 = arith.constant 0 : index
    %get3A_5 = arith.constant 0 : index
    %get3A_6 = vector.load %arg2[%get3A_3, %get3A_4, %get3A_5] : memref<1x1x128xf32, #tpu.memory_space<vmem>>, vector<1x1x128xf32>
    %get3A_7 = arith.constant 0 : index
    %get3A_8 = arith.constant 0 : index
    %get3A_9 = arith.constant 0 : index
    %get3A_10 = vector.load %arg3[%get3A_7, %get3A_8, %get3A_9] : memref<1x1x128xf32, #tpu.memory_space<vmem>>, vector<1x1x128xf32>
    %get3A_11 = arith.constant 0 : index
    %get3A_12 = arith.constant 0 : index
    %get3A_13 = arith.constant 0 : index
    %get3A_14 = vector.load %arg4[%get3A_11, %get3A_12, %get3A_13] : memref<1x1x128xf32, #tpu.memory_space<vmem>>, vector<1x1x128xf32>
    %ne3A = arith.constant 0.000000e+00 : f32
    %ne3A_15 = vector.broadcast %ne3A : f32 to vector<1x1x128xf32>
    %ne3A_16 = arith.cmpf one, %get3A_14, %ne3A_15 : vector<1x1x128xf32>
    %ge3A = vector.broadcast %get3A_6 : vector<1x1x128xf32> to vector<512x4x128xf32>
    %ge3A_17 = arith.cmpf oge, %get3A_2, %ge3A : vector<512x4x128xf32>
    %le3A = vector.broadcast %get3A_10 : vector<1x1x128xf32> to vector<512x4x128xf32>
    %le3A_18 = arith.cmpf ole, %get3A_2, %le3A : vector<512x4x128xf32>
    %and3A = arith.andi %ge3A_17, %le3A_18 : vector<512x4x128xi1>
    %ne3A_19 = vector.broadcast %ne3A_16 : vector<1x1x128xi1> to vector<512x4x128xi1>
    %ne3A_20 = vector.broadcast %ne3A_19 : vector<512x4x128xi1> to vector<512x4x128xi1>
    %ne3A_21 = arith.xori %and3A, %ne3A_20 : vector<512x4x128xi1>
    %jit3A = arith.constant 1.000000e+00 : f32
    %jit3A_22 = arith.constant 0.000000e+00 : f32
    %broadcast_in_dim3A = vector.broadcast %jit3A : f32 to vector<512x4x128xf32>
    %broadcast_in_dim3A_23 = vector.broadcast %jit3A_22 : f32 to vector<512x4x128xf32>
    %select_n3A = arith.select %ne3A_21, %broadcast_in_dim3A, %broadcast_in_dim3A_23 : vector<512x4x128xi1>, vector<512x4x128xf32>
    %roll3A = arith.constant 127 : i32
    %roll3A_24 = tpu.dynamic_rotate %select_n3A by %roll3A dim 2 : vector<512x4x128xf32>, i32 -> vector<512x4x128xf32>
    %mul3A = arith.mulf %select_n3A, %roll3A_24 : vector<512x4x128xf32>
    %roll3A_25 = arith.constant 126 : i32
    %roll3A_26 = tpu.dynamic_rotate %mul3A by %roll3A_25 dim 2 : vector<512x4x128xf32>, i32 -> vector<512x4x128xf32>
    %mul3A_27 = arith.mulf %mul3A, %roll3A_26 : vector<512x4x128xf32>
    %roll3A_28 = arith.constant 124 : i32
    %roll3A_29 = tpu.dynamic_rotate %mul3A_27 by %roll3A_28 dim 2 : vector<512x4x128xf32>, i32 -> vector<512x4x128xf32>
    %mul3A_30 = arith.mulf %mul3A_27, %roll3A_29 : vector<512x4x128xf32>
    %iota3A = tpu.iota {dimensions = array<i32: 2>} : vector<512x4x128xi32>
    %jit3A_31 = arith.constant 8 : i32
    %eq3A = arith.constant 0 : i32
    %eq3A_32 = arith.cmpi eq, %jit3A_31, %eq3A : i32
    %jit3A_33 = arith.constant 1 : i32
    %select_n3A_34 = arith.select %eq3A_32, %jit3A_33, %jit3A_31 : i32
    %rem3A = vector.broadcast %select_n3A_34 : i32 to vector<512x4x128xi32>
    %rem3A_35 = arith.remsi %iota3A, %rem3A : vector<512x4x128xi32>
    %ne3A_36 = arith.constant 0 : i32
    %ne3A_37 = vector.broadcast %ne3A_36 : i32 to vector<512x4x128xi32>
    %ne3A_38 = arith.cmpi ne, %rem3A_35, %ne3A_37 : vector<512x4x128xi32>
    %lt3A = arith.constant 0 : i32
    %lt3A_39 = vector.broadcast %lt3A : i32 to vector<512x4x128xi32>
    %lt3A_40 = arith.cmpi slt, %rem3A_35, %lt3A_39 : vector<512x4x128xi32>
    %lt3A_41 = arith.constant 0 : i32
    %lt3A_42 = arith.cmpi slt, %select_n3A_34, %lt3A_41 : i32
    %ne3A_43 = vector.broadcast %lt3A_42 : i1 to vector<512x4x128xi1>
    %ne3A_44 = vector.broadcast %ne3A_43 : vector<512x4x128xi1> to vector<512x4x128xi1>
    %ne3A_45 = arith.xori %lt3A_40, %ne3A_44 : vector<512x4x128xi1>
    %and3A_46 = arith.andi %ne3A_45, %ne3A_38 : vector<512x4x128xi1>
    %add3A = vector.broadcast %select_n3A_34 : i32 to vector<512x4x128xi32>
    %add3A_47 = arith.addi %rem3A_35, %add3A : vector<512x4x128xi32>
    %select_n3A_48 = arith.select %and3A_46, %add3A_47, %rem3A_35 : vector<512x4x128xi1>, vector<512x4x128xi32>
    %eq3A_49 = arith.constant 0 : i32
    %eq3A_50 = vector.broadcast %eq3A_49 : i32 to vector<512x4x128xi32>
    %eq3A_51 = arith.cmpi eq, %select_n3A_48, %eq3A_50 : vector<512x4x128xi32>
    %jit3A_52 = arith.constant 0.000000e+00 : f32
    %broadcast_in_dim3A_53 = vector.broadcast %jit3A_52 : f32 to vector<512x4x128xf32>
    %select_n3A_54 = arith.select %eq3A_51, %mul3A_30, %broadcast_in_dim3A_53 : vector<512x4x128xi1>, vector<512x4x128xf32>
    %slice3A = vector.extract_strided_slice %select_n3A_54 {offsets = [0, 0, 0], sizes = [512, 1, 128], strides = [1, 1, 1]} : vector<512x4x128xf32> to vector<512x1x128xf32>
    %squeeze3A = vector.shape_cast %slice3A : vector<512x1x128xf32> to vector<512x128xf32>
    %slice3A_55 = vector.extract_strided_slice %select_n3A_54 {offsets = [0, 1, 0], sizes = [512, 1, 128], strides = [1, 1, 1]} : vector<512x4x128xf32> to vector<512x1x128xf32>
    %squeeze3A_56 = vector.shape_cast %slice3A_55 : vector<512x1x128xf32> to vector<512x128xf32>
    %roll3A_57 = arith.constant 2 : i32
    %roll3A_58 = tpu.dynamic_rotate %squeeze3A_56 by %roll3A_57 dim 1 : vector<512x128xf32>, i32 -> vector<512x128xf32>
    %add3A_59 = arith.addf %squeeze3A, %roll3A_58 : vector<512x128xf32>
    %slice3A_60 = vector.extract_strided_slice %select_n3A_54 {offsets = [0, 2, 0], sizes = [512, 1, 128], strides = [1, 1, 1]} : vector<512x4x128xf32> to vector<512x1x128xf32>
    %squeeze3A_61 = vector.shape_cast %slice3A_60 : vector<512x1x128xf32> to vector<512x128xf32>
    %roll3A_62 = arith.constant 4 : i32
    %roll3A_63 = tpu.dynamic_rotate %squeeze3A_61 by %roll3A_62 dim 1 : vector<512x128xf32>, i32 -> vector<512x128xf32>
    %add3A_64 = arith.addf %add3A_59, %roll3A_63 : vector<512x128xf32>
    %slice3A_65 = vector.extract_strided_slice %select_n3A_54 {offsets = [0, 3, 0], sizes = [512, 1, 128], strides = [1, 1, 1]} : vector<512x4x128xf32> to vector<512x1x128xf32>
    %squeeze3A_66 = vector.shape_cast %slice3A_65 : vector<512x1x128xf32> to vector<512x128xf32>
    %roll3A_67 = arith.constant 6 : i32
    %roll3A_68 = tpu.dynamic_rotate %squeeze3A_66 by %roll3A_67 dim 1 : vector<512x128xf32>, i32 -> vector<512x128xf32>
    %add3A_69 = arith.addf %add3A_64, %roll3A_68 : vector<512x128xf32>
    %get3A_70 = arith.constant 0 : index
    %get3A_71 = arith.constant 0 : index
    %get3A_72 = vector.load %arg5[%get3A_70, %get3A_71] : memref<128x128xf32, #tpu.memory_space<vmem>>, vector<128x128xf32>
    %dot_general3A = arith.constant dense<0.000000e+00> : vector<512x128xf32>
    %dot_general3A_73 = tpu.matmul %add3A_69, %get3A_72, %dot_general3A {dimension_numbers = #tpu.dot_dimension_numbers<[1], [0], [0], [1], [0, 0, 1, 1], [], []>, transpose_lhs_hint = false} : vector<512x128xf32>, vector<128x128xf32>, vector<512x128xf32> -> vector<512x128xf32>
    %iota3A_74 = tpu.iota {dimensions = array<i32: 1>} : vector<512x128xi32>
    %jit3A_75 = arith.constant 2 : i32
    %eq3A_76 = arith.constant 0 : i32
    %eq3A_77 = arith.cmpi eq, %jit3A_75, %eq3A_76 : i32
    %jit3A_78 = arith.constant 1 : i32
    %select_n3A_79 = arith.select %eq3A_77, %jit3A_78, %jit3A_75 : i32
    %rem3A_80 = vector.broadcast %select_n3A_79 : i32 to vector<512x128xi32>
    %rem3A_81 = arith.remsi %iota3A_74, %rem3A_80 : vector<512x128xi32>
    %ne3A_82 = arith.constant 0 : i32
    %ne3A_83 = vector.broadcast %ne3A_82 : i32 to vector<512x128xi32>
    %ne3A_84 = arith.cmpi ne, %rem3A_81, %ne3A_83 : vector<512x128xi32>
    %lt3A_85 = arith.constant 0 : i32
    %lt3A_86 = vector.broadcast %lt3A_85 : i32 to vector<512x128xi32>
    %lt3A_87 = arith.cmpi slt, %rem3A_81, %lt3A_86 : vector<512x128xi32>
    %lt3A_88 = arith.constant 0 : i32
    %lt3A_89 = arith.cmpi slt, %select_n3A_79, %lt3A_88 : i32
    %ne3A_90 = vector.broadcast %lt3A_89 : i1 to vector<512x128xi1>
    %ne3A_91 = vector.broadcast %ne3A_90 : vector<512x128xi1> to vector<512x128xi1>
    %ne3A_92 = arith.xori %lt3A_87, %ne3A_91 : vector<512x128xi1>
    %and3A_93 = arith.andi %ne3A_92, %ne3A_84 : vector<512x128xi1>
    %add3A_94 = vector.broadcast %select_n3A_79 : i32 to vector<512x128xi32>
    %add3A_95 = arith.addi %rem3A_81, %add3A_94 : vector<512x128xi32>
    %select_n3A_96 = arith.select %and3A_93, %add3A_95, %rem3A_81 : vector<512x128xi1>, vector<512x128xi32>
    %eq3A_97 = arith.constant 0 : i32
    %eq3A_98 = vector.broadcast %eq3A_97 : i32 to vector<512x128xi32>
    %eq3A_99 = arith.cmpi eq, %select_n3A_96, %eq3A_98 : vector<512x128xi32>
    %jit3A_100 = arith.constant 1.000000e+00 : f32
    %jit3A_101 = arith.constant 0.000000e+00 : f32
    %broadcast_in_dim3A_102 = vector.broadcast %jit3A_100 : f32 to vector<512x128xf32>
    %broadcast_in_dim3A_103 = vector.broadcast %jit3A_101 : f32 to vector<512x128xf32>
    %select_n3A_104 = arith.select %eq3A_99, %broadcast_in_dim3A_102, %broadcast_in_dim3A_103 : vector<512x128xi1>, vector<512x128xf32>
    %add3A_105 = arith.addf %dot_general3A_73, %select_n3A_104 : vector<512x128xf32>
    %swap3A = arith.constant 0 : index
    %swap3A_106 = arith.constant 0 : index
    %swap3A_107 = vector.load %arg6[%swap3A, %swap3A_106] : memref<512x128xf32, #tpu.memory_space<vmem>>, vector<512x128xf32>
    tpu.vector_store %arg6[%swap3A, %swap3A_106], %add3A_105 {strides = array<i32>} : memref<512x128xf32, #tpu.memory_space<vmem>>, vector<512x128xf32>,
    return
  }
  func.func @transform_0(%arg0: i32) -> (i32, i32, i32) {
    %c0_i32 = arith.constant 0 : i32
    %c0_i32_0 = arith.constant 0 : i32
    %c0_i32_1 = arith.constant 0 : i32
    return %arg0, %c0_i32, %c0_i32_0 : i32, i32, i32
  }
  func.func @transform_1(%arg0: i32) -> (i32, i32, i32) {
    %c0_i32 = arith.constant 0 : i32
    %c0_i32_0 = arith.constant 0 : i32
    %c0_i32_1 = arith.constant 0 : i32
    %c0_i32_2 = arith.constant 0 : i32
    return %c0_i32, %c0_i32_0, %c0_i32_1 : i32, i32, i32
  }
  func.func @transform_2(%arg0: i32) -> (i32, i32, i32) {
    %c0_i32 = arith.constant 0 : i32
    %c0_i32_0 = arith.constant 0 : i32
    %c0_i32_1 = arith.constant 0 : i32
    %c0_i32_2 = arith.constant 0 : i32
    return %c0_i32, %c0_i32_0, %c0_i32_1 : i32, i32, i32
  }
  func.func @transform_3(%arg0: i32) -> (i32, i32, i32) {
    %c0_i32 = arith.constant 0 : i32
    %c0_i32_0 = arith.constant 0 : i32
    %c0_i32_1 = arith.constant 0 : i32
    %c0_i32_2 = arith.constant 0 : i32
    return %c0_i32, %c0_i32_0, %c0_i32_1 : i32, i32, i32
  }
  func.func @transform_4(%arg0: i32) -> (i32, i32) {
    %c0_i32 = arith.constant 0 : i32
    %c0_i32_0 = arith.constant 0 : i32
    %c0_i32_1 = arith.constant 0 : i32
    return %c0_i32, %c0_i32_0 : i32, i32
  }
  func.func @transform_5(%arg0: i32) -> (i32, i32) {
    %c0_i32 = arith.constant 0 : i32
    %c0_i32_0 = arith.constant 0 : i32
    return %arg0, %c0_i32 : i32, i32
  }
}

</mosaic_0001>

<sc_bundles>
// kernel: sparse-core-data-format-call.cloned.1.call-start
scs
called_computation_lowered:
.L_overlay_start_0:
0x0: {  	s2 =	sld [smem:$0x3FD9]  }
0x1: {  	s3 =	sld [smem:$0x3FFE];
	_ =	sdelay $0x1  }
0x2: {  	s1 =	srdreg.scid  }
0x3: {  	s0 =	sand.u32 $0x1, s1  }
0x4: {  	s18 =	sshll.u32 s0, $0xA;
	s2 =	sadd.s32 s3, s2  }
0x5: {  	s2 =	sadd.s32 s2, s18  }
0x6: {  	[smem:$0x3FC4] =	sst s2  }
0x7: {  	_ = 	snop  }
0x8: {  	s2 =	sld [smem:$0x3FD0];
	(tm) =	ssettm $0x1  }
0x9: {  	s19 =	sld [smem:$0x3FFB];
	_ =	sdelay $0x3  }
0xa: {  	_ =	strace s19  }
0xb: {  	s3 =	sld [smem:$0x3FFC];
	_ =	sdelay $0x3  }
0xc: {  	_ =	strace s3  }
0xd: {  	s3 =	sld [smem:$0x3FFD];
	_ =	sdelay $0x3  }
0xe: {  	_ =	strace s3  }
0xf: {  	_ =	strace $0x8FFFFFFF  }
0x10: {  	s20 =	sld [smem:$0x3FDB];
	_ =	sdelay $0x1  }
0x11: {  	s4 =	simm.s32 $_scs_section_size  }
0x12: {  	s5 =	simm.s32 $_size__tile_overlayer_lowered;
	s6 =	simm.s32 $_tile_overlayer_lowered  }
0x13: {  	s23 =	simm.s32 $0x1BFF;
	s22 =	sshll.u32 s6, $0x1;
	s3 =	sadd.s32 s4, s20  }
0x14: {  	s7 =	simm.s32 $0x0;
	s21 =	sshll.u32 s5, $0x1;
	s5 =	sadd.s32 s22, s3  }
0x15: {  	[timem:s7], [sflag:s23] =	dma.local [hbm:s5], s21  }
0x16: {  	_ =	swait.ge [sflag:s23], s21  }
0x17: {  	s4 =	ssub.s32 $0x0, s21;
	[sflag:s23] =	ssyncset.done $0x0  }
0x18: {  	[sflag:s23] =	ssyncadd.s32 s4;
	_ =	sdelay $0x1  }
0x19: {  	s24 =	simm.s32 $0x1B8B  }
0x1a: {  	_ =	swait.ge [sflag:s24], $0x1  }
0x1b: {  	[sflag:s24] =	ssyncset.done $0x0  }
0x1c: {  	s26 =	simm.s32 $0x1B8E;
	s25 =	sld [smem:$0x3FFE];
	[sflag:s24] =	ssyncadd.s32 $0xFFFFFFFF  }
0x1d: {  	s27 =	simm.s32 $execute0_lowered;
	[smem:$0x3FD2] =	sst s26  }
0x1e: {  	s5 =	sshll.u32 s27, $0x1;
	_ =	strace $0x80000046;
	[dreg:$0x1] =	wrdreg $0xFFFFFFFF  }
0x1f: {  	s28 =	simm.s32 $_size_execute0_lowered;
	s3 =	sadd.s32 s3, s5;
	[dreg:$0x0] =	wrdreg $0x0  }
0x20: {  	s5 =	sshll.u32 s28, $0x1;
	[dreg:$0x2] =	wrdreg s3  }
0x21: {  	[dreg:$0x3] =	wrdreg s5  }
0x22: {  	[dreg:$0x4] =	wrdreg $0xC0  }
0x23: {  	_ =	task [dreg:s7], $0x5FFFF  }
0x24: {  	[dreg:$0x1] =	wrdreg $0xFFFFFFFF  }
0x25: {  	[dreg:$0x0] =	wrdreg $0x60  }
0x26: {  	[dreg:$0x2] =	wrdreg s25  }
0x27: {  	[dreg:$0x3] =	wrdreg s2  }
0x28: {  	[dreg:$0x4] =	wrdreg $0x9  }
0x29: {  	_ =	task.clear_ibuf [dreg:s7], $0x5FFFF;
	_ =	strace $0x90000046  }
0x2a: {  	s29 =	simm.s32 $0x9;
	_ =	strace $0x80000048  }
0x2b: {  	_ =	swait.ge [sflag:s29], $0x1  }
0x2c: {  	[sflag:s29] =	ssyncadd.s32 $0xFFFFFFFF  }
0x2d: {  	_ =	strace $0x90000048  }
0x2e: {  	_ =	sfence  }
0x2f: {  	s30 =	sld [smem:$0x0];
	_ =	sdelay $0x2  }
0x30: {  	s31 =	sshll.u32 s1, $0xD;
	s1 =	sshrl.u32 s1, $0x2  }
0x31: {  	s3 =	sand.u32 $0x4000, s31;
	s1 =	sadd.s32 s1, s30  }
0x32: {  	s0 =	sor.u32 s3, s0;
	s1 =	sshll.u32 s1, $0x11  }
0x33: {  	s0 =	sor.u32 s1, s0  }
0x34: {  	s0 =	sadd.s32 $0x8F2B, s0  }
0x35: {  	[sflag:s0] =	ssyncadd.remote.s32 $0x1  }
0x36: {  	_ =	sfence.sel $0xFFFF  }
0x37: {  	[dreg:$0x0] =	wrdreg $0xFFFFFFFF;
	(pc) =	sbr.abs _section_cstart, $3  }
0x38: {  	[dreg:$0x1] =	wrdreg $0xFFFFFFFF  }
0x39: {  	_ =	task.clear_ibuf [dreg:s7], $0x2FFFF;
	_ =	strace $0x9FFFFFFF  }
0x3a: {  	(tm) =	ssettm $0x7FFFFFFF  }
0x3b: {  	_ =	shalt  }
tec
execute0_lowered:
.L_overlay_start_1:
0x0: {  	(tag) =	ssettag $0x1  }
0x1: {  	s0 =	srdreg.scid  }
0x2: {  	s5 =	rddreg [dreg:$0x0];
	s1 =	sshll.u32 s0, $0x4  }
0x3: {  	s2 =	rddreg [dreg:$0x1];
	s0 =	stileid.u32;
	s1 =	sand.u32 $0x10, s1  }
0x4: {  	s4 =	simm.s32 $0x1;
	s8 =	simm.s32 $0x2;
	s1 =	sor.u32 s0, s1  }
0x5: {  	s12 =	simm.s32 $0x0;
	s9 =	simm.s32 $0x0;
	s3 =	sshll.u32 s1, $0x7  }
0x6: {  	s11 =	simm.s32 $0x0;
	s5 =	sadd.s32 $0x2000, s5;
	s6 =	ssub.s32 $0x400000, s3  }
.Ltmp0:
0x7: {  	s1 =	rddreg [dreg:$0x2];
	s7 =	sand.u32 $0xF80, s6;
	(pc) =	sbr.rel .LBB1_1-.Ltmp0, $4  }
0x8: {  	_ =	strace $0x80000047;
	p0 =	sne.s32 s7, $0x0;
	s7 =	simm.s32 $0x1  }
0x9: {  	[sflag:s4] =	ssyncpa.u1 $0x0;
	s6 =	sshrl.u32 s6, $0xC;
	s7 =	simm.s32 @!p0 $0x0  }
0xa: {  	s10 =	smov.u32 s3;
	[sflag:s8] =	ssyncpa.u1 $0x0;
	s6 =	sadd.s32 s7, s6  }
0xb: {  	s8 =	simm.s32 $0x800000;
	p0 =	por $0x0, $0x0;
	s7 =	sadd.s32 $0x1, s6  }
.LBB1_4:
0xc: {  	p1 =	sgt.s32 s9, $0x3FFF80;
	s15 =	smov.u32 s9;
	s16 =	sshra.s32 s9, $0x1F  }
0xd: {  	s15 =	simm.s32 @!p1 $0x3FFF80;
	s16 =	sand.u32 s16, s9  }
0xe: {  	s15 =	ssub.s32 s15, s16  }
0xf: {  	s28 =	sand.u32 $0x78, s9;
	s17 =	sshll.u32 s9, $0x1;
	s15 =	sadd.s32 $0xFFC00080, s15  }
0x10: {  	s17 =	sand.u32 $0x7FFF00, s17;
	p1 =	sgt.s32 s15, $0x7F;
	s15 =	sshll.u32 s15, $0x3  }
0x11: {  	s29 =	sand.u32 $0x7, s9;
	s16 =	sor.u32 s28, s17;
	s15 =	ssub.s32 $0x400, s15  }
0x12: {  	s17 =	sshll.u32 s29, $0x12;
	s16 =	sshrl.u32 s16, $0x3;
	s15 =	sshrl.u32 s15, $0x2  }
0x13: {  	[tilespmem:s14+$0x0 ss:$0x81] =	vst.msk $0xffff, v0;
	s31 =	sor.u32 $0x100, s17;
	s30 =	sadd.s32 s2, s16;
	s15 =	simm.s32 @p1 $0x0  }
0x14: {  	[hbm4b:s30+s31] =	stream.strided.scatter [tilespmem:s13], [sflag:$0x2], s15, s8, s31, $0x20;
	[tilespmem:$0x4040] =	vst v63  }
.LBB1_5:
0x15: {  	p1 =	slt.u32 s11, $0x2  }
0x16: {  	p2 =	sgt.s32 @!p1 s12, $0x3FFF80  }
0x17: {  	s13 =	smov.u32 s12;
	s14 =	sshra.s32 @!p1 s12, $0x1F;
	p2 =	por !p2, p1  }
0x18: {  	s12 =	sand.u32 @!p1 s14, s12;
	s13 =	simm.s32 @p2 $0x3FFF80  }
0x19: {  	s12 =	ssub.s32 @!p1 s13, s12  }
0x1a: {  	s12 =	sadd.s32 @!p1 $0xFFC00080, s12  }
0x1b: {  	s13 =	sshll.u32 @!p1 s12, $0x3  }
0x1c: {  	p2 =	sgt.s32 @!p1 s12, $0x7F;
	s12 =	ssub.s32 @!p1 $0x400, s13  }
0x1d: {  	s14 =	sadd.s32 $0x1000, s10;
	p2 =	por !p2, p1;
	s12 =	sshrl.u32 @!p1 s12, $0x2  }
0x1e: {  	s12 =	simm.s32 @!p2 $0x0;
	p2 =	sgt.s32 s14, $0x3FFFFF  }
0x1f: {  	s14 =	smov.u32 @p2 s3;
	p2 =	sne.s32 s11, s7  }
.Ltmp1:
0x20: {  	_ = 	snop;
	(pc) =	sbr.rel @!p2 .LBB1_6-.Ltmp1, $4  }
0x21: {  	s13 =	simm.s32 @!p1 $0x2  }
0x22: {  	p0 =	por !p0, !p0;
	_ =	swait.ge @!p1 [sflag:s13], s12;
	s15 =	ssub.s32 @!p1 $0x0, s12  }
0x23: {  	s12 =	smov.u32 s9;
	s11 =	sadd.s32 $0x1, s11;
	[sflag:s13] =	ssyncset.done @!p1 $0x0  }
0x24: {  	s9 =	smov.u32 s10;
	s10 =	smov.u32 s14;
	[sflag:s13] =	ssyncadd.s32 @!p1 s15  }
.LBB1_1:
0x25: {  	p1 =	sge.u32 s11, s6  }
0x26: {  	s31 =	sadd.s32 $0xFFFFFFFF, s11;
	s13 =	sxor.u32 @!p1 $0xFFFFFFFF, s11;
	s14 =	sshll.u32 @!p1 s10, $0x4  }
0x27: {  	s15 =	simm.s32 @!p1 $0x20;
	s13 =	sshll.u32 @!p1 s13, $0xC;
	s14 =	sand.u32 @!p1 $0x3FFFFF0, s14  }
0x28: {  	s16 =	simm.s32 @!p1 $0x80;
	s13 =	sand.u32 @!p1 $0x1000, s13;
	s14 =	sadd.s32 @!p1 s5, s14  }
0x29: {  	[tilespmem:s13], [sflag:$0x1] =	stream.strided.gather @!p1 [hbm4b:s14+s15], $0x1000, s16, s15, $0x38;
	[tilespmem:$0x4040] =	vst v63  }
0x2a: {  	p1 =	sge.u32 s31, s6  }
.Ltmp2:
0x2b: {  	_ = 	snop;
	(pc) =	sbr.rel @p1 .LBB1_5-.Ltmp2, $1  }
0x2c: {  	_ =	sdelay $0x3  }
0x2d: {  	s13 =	simm.s32 $0x1  }
0x2e: {  	_ =	swait.ge [sflag:s4], $0x1000;
	s13 =	simm.s32 @!p0 $0x0  }
0x2f: {  	[sflag:s4] =	ssyncset.done $0x0;
	s14 =	sshll.u32 s13, $0xC  }
0x30: {  	[sflag:s4] =	ssyncadd.s32 $0xFFFFF000;
	s17 =	sor.u32 $0x10, s14  }
0x31: {  	s13 =	smul.u32 $0x4080, s13;
	v1 =	vld [tilespmem:s17+$0x0]  }
0x32: {  	s30 =	sand.u32 $0x1, s11;
	v0 =	vld [tilespmem:s17+$0xFFFFFFF0]  }
0x33: {  	s14 =	smul.u32 $0x4080, s30;
	s13 =	sshrl.u32 s13, $0x2  }
0x34: {  	s15 =	sor.u32 $0x2000, s13  }
0x35: {  	s31 =	sshrl.u32 s14, $0x2;
	s14 =	sadd.s32 $0x0, s15  }
0x36: {  	s16 =	simm.s32 $0x4;
	s17 =	sadd.s32 $0x20, s17;
	s13 =	sor.u32 $0x2000, s31;
	[tilespmem:s14+$0x810 ss:$0x81] =	vst.msk $0xffff, v1  }
.LBB1_3:
0x37: {  	v1 =	vld [tilespmem:s17+$0x0];
	p1 =	sne.s32 s16, $0x1FC;
	[tilespmem:s14+$0x0 ss:$0x81] =	vst.msk $0xffff, v0;
	s14 =	smov.u32 s16;
	s16 =	sadd.s32 $0x4, s16  }
.Ltmp3:
0x38: {  	v0 =	vld [tilespmem:s17+$0xFFFFFFF0];
	(pc) =	sbr.rel @p1 .LBB1_3-.Ltmp3, $4  }
0x39: {  	_ = 	snop  }
0x3a: {  	s14 =	sshra.s32 s14, $0x2  }
0x3b: {  	s14 =	sadd.s32 s14, s15  }
0x3c: {  	s17 =	sadd.s32 $0x20, s17;
	[tilespmem:s14+$0x810 ss:$0x81] =	vst.msk $0xffff, v1  }
.Ltmp4:
0x3d: {  	_ = 	snop;
	(pc) =	sbr.rel .LBB1_4-.Ltmp4, $1  }
0x3e: {  	_ =	sdelay $0x3  }
.LBB1_6:
0x3f: {  	_ =	sfence.sel $0x180000  }
0x40: {  	s2 =	simm.s32 $0x1;
	[bflag:$0x0] =	sbarrier.arrive $0xFFFF  }
0x41: {  	s31 =	simm.s32 $0x2;
	[sflag:s2] =	ssyncpa.u1 $0x1  }
0x42: {  	[sflag:s31] =	ssyncpa.u1 $0x1  }
0x43: {  	p0 =	sne.s32 s0, $0x0;
	_ =	strace $0x90000047  }
0x44: {  	s0 =	sadd.s32 @!p0 $0x100000, s1;
	[bflag:$0x2] =	sbarrier.arrive $0xFFFF  }
0x45: {  	[sflag:s0] =	ssyncadd.tile.s32 @!p0 $0x1;
	_ =	shalt  }
.Lfunc_end1:
_tile_overlayer_lowered:
.L_overlay_start_2:
0x46: {  	(tag) =	ssettag $0x2  }
0x47: {  	s0 =	rddreg [dreg:$0x0];
	s2 =	stileid.u32  }
0x48: {  	s1 =	rddreg [dreg:$0x1];
	p0 =	sne.s32 s2, $0x0  }
0x49: {  	s3 =	rddreg [dreg:$0x2];
	[bflag:$0x3] =	sbarrier.arrive $0xFFFF;
	s2 =	simm.s32 @!p0 $0x1C01  }
0x4a: {  	[timem:s3], [sflag:s2] =	dma.local @!p0 [hbm:s0], s1  }
0x4b: {  	s0 =	simm.s32 @!p0 $0x1  }
0x4c: {  	_ =	swait.ge @!p0 [sflag:s0], s1  }
0x4d: {  	s1 =	ssub.s32 @!p0 $0x0, s1;
	[sflag:s0] =	ssyncset.done @!p0 $0x0  }
0x4e: {  	[sflag:s0] =	ssyncadd.s32 @!p0 s1  }
0x4f: {  	[bflag:$0x3] =	sbarrier.arrive $0xFFFF  }
0x50: {  	_ =	shalt  }

</sc_bundles>
